<compile_context>
chip_gen: v7x
topology: tpu7x:2x2x1
jax: 0.10.2.dev20260603
libtpu: 0.0.44.dev20260713+nightly
codegen_flags: <defaults>
</compile_context>

<pallas_src>
import functools

import jax
import jax.numpy as jnp
from jax import lax
from jax.experimental import pallas as pl
from jax.experimental.pallas import tpu as pltpu
from jax.experimental.pallas import tpu_sc as plsc

BATCH = 4096
SEQ = 200
EMBED_DIM = 32
NUM_CLASSES = 100
CLASS_PAD = 128

NUM_CORES = 2
NUM_SUBCORES = 16
NUM_WORKERS = NUM_CORES * NUM_SUBCORES
BPW = BATCH // NUM_WORKERS

_N16 = SEQ // 16
_TAIL = SEQ - _N16 * 16
_G1 = 128
_G2 = SEQ - _G1


def _sc_pool_sums(x_pad, table):
    mesh = plsc.VectorSubcoreMesh(core_axis_name="c", subcore_axis_name="s")

    @functools.partial(
        pl.kernel,
        mesh=mesh,
        compiler_params=pltpu.CompilerParams(use_tc_tiling_on_sc=False),
        out_type=jax.ShapeDtypeStruct((BATCH, EMBED_DIM), jnp.float32),
        scratch_types=[
            pltpu.VMEM((BPW, SEQ), jnp.int32),
            pltpu.VMEM((SEQ, EMBED_DIM), jnp.float32),
            pltpu.VMEM((BPW, EMBED_DIM), jnp.float32),
            pltpu.SemaphoreType.DMA,
        ],
    )
    def body(x_hbm, table_hbm, out_hbm, idx_v, rows_v, sums_v, sem):
        wid = lax.axis_index("s") * NUM_CORES + lax.axis_index("c")
        base = wid * BPW
        pltpu.sync_copy(x_hbm.at[pl.ds(base, BPW)], idx_v)

        zero = jnp.zeros((16,), jnp.float32)

        def row_body(row, carry):
            cp1 = pltpu.async_copy(
                table_hbm.at[idx_v.at[row, pl.ds(0, _G1)]],
                rows_v.at[pl.ds(0, _G1)], sem)
            cp2 = pltpu.async_copy(
                table_hbm.at[idx_v.at[row, pl.ds(_G1, _G2)]],
                rows_v.at[pl.ds(_G1, _G2)], sem)
            cp1.wait()
            cp2.wait()

            def chunk(c, accs):
                a0, a1, a2, a3, a4, a5, a6, a7 = accs
                r0 = c * 16
                for u in range(0, 16, 4):
                    a0 = a0 + rows_v[r0 + u, pl.ds(0, 16)]
                    a1 = a1 + rows_v[r0 + u, pl.ds(16, 16)]
                    a2 = a2 + rows_v[r0 + u + 1, pl.ds(0, 16)]
                    a3 = a3 + rows_v[r0 + u + 1, pl.ds(16, 16)]
                    a4 = a4 + rows_v[r0 + u + 2, pl.ds(0, 16)]
                    a5 = a5 + rows_v[r0 + u + 2, pl.ds(16, 16)]
                    a6 = a6 + rows_v[r0 + u + 3, pl.ds(0, 16)]
                    a7 = a7 + rows_v[r0 + u + 3, pl.ds(16, 16)]
                return (a0, a1, a2, a3, a4, a5, a6, a7)

            accs = lax.fori_loop(0, _N16, chunk, (zero,) * 8)

            accs = list(accs)
            for u in range(_TAIL):
                p = (u % 4) * 2
                accs[p] = accs[p] + rows_v[_N16 * 16 + u, pl.ds(0, 16)]
                accs[p + 1] = accs[p + 1] + rows_v[
                    _N16 * 16 + u, pl.ds(16, 16)]

            s0 = (accs[0] + accs[2]) + (accs[4] + accs[6])
            s1 = (accs[1] + accs[3]) + (accs[5] + accs[7])
            sums_v[row, pl.ds(0, 16)] = s0
            sums_v[row, pl.ds(16, 16)] = s1
            return carry

        lax.fori_loop(0, BPW, row_body, 0)
        pltpu.sync_copy(sums_v, out_hbm.at[pl.ds(base, BPW)])

    return body(x_pad, table)


def _tc_matmul(sums, x, t0, w_scaled, b_pad):
    def body(s_ref, x_ref, t0_ref, w_ref, b_ref, o_ref):
        cnt0 = jnp.sum((x_ref[...] == 0).astype(jnp.float32), axis=1,
                       keepdims=True)
        pooled = s_ref[...] - cnt0 * t0_ref[...]
        o_ref[...] = jnp.dot(
            pooled, w_ref[...], preferred_element_type=jnp.float32
        ) + b_ref[...]

    blk = 1024
    return pl.pallas_call(
        body,
        grid=(BATCH // blk,),
        in_specs=[
            pl.BlockSpec((blk, EMBED_DIM), lambda i: (i, 0)),
            pl.BlockSpec((blk, SEQ), lambda i: (i, 0)),
            pl.BlockSpec((1, EMBED_DIM), lambda i: (0, 0)),
            pl.BlockSpec((EMBED_DIM, CLASS_PAD), lambda i: (0, 0)),
            pl.BlockSpec((1, CLASS_PAD), lambda i: (0, 0)),
        ],
        out_specs=pl.BlockSpec((blk, CLASS_PAD), lambda i: (i, 0)),
        out_shape=jax.ShapeDtypeStruct((BATCH, CLASS_PAD), jnp.float32),
    )(sums, x, t0, w_scaled, b_pad)


def kernel(x, table, W, b):
    t0 = lax.slice(table, (0, 0), (1, EMBED_DIM))
    w_scaled = jnp.zeros((EMBED_DIM, CLASS_PAD), jnp.float32)
    w_scaled = w_scaled.at[:, :NUM_CLASSES].set(W.T * (1.0 / SEQ))
    b_pad = jnp.zeros((1, CLASS_PAD), jnp.float32).at[0, :NUM_CLASSES].set(b)

    sums = _sc_pool_sums(x, table)
    logits_pad = _tc_matmul(sums, x, t0, w_scaled, b_pad)
    return logits_pad[:, :NUM_CLASSES]

# --- scband reference (transcript-rebuilt; emitter-appended) ---
"""Pipeline reference for scband-text-classifier-15582141350676 (READ-ONLY COPY).

The authoritative reference and input builder live on the scoring server;
editing this copy changes nothing except your own understanding.
"""

import jax, jax.numpy as jnp
import numpy as np

VOCAB = 1000000
EMBED_DIM = 32
NUM_CLASSES = 100
BATCH = 4096
SEQ = 200


def setup_inputs(seed: int = 0) -> dict:
    key = jax.random.key(seed)
    k1, k2, k3 = jax.random.split(key, 3)
    x = jax.random.randint(k1, (BATCH, SEQ), 0, VOCAB, dtype=jnp.int64 if jax.config.jax_enable_x64 else jnp.int32).astype(jnp.int32)
    table = jax.random.normal(k2, (VOCAB, EMBED_DIM), dtype=jnp.float32)
    W = jax.random.normal(k3, (NUM_CLASSES, EMBED_DIM), dtype=jnp.float32) * 0.05
    b = jnp.zeros((NUM_CLASSES,), dtype=jnp.float32)
    return {"x": x, "table": table, "W": W, "b": b}


def reference(x, table, W, b):
    # nn.Embedding with padding_idx=0: row 0 contributes zeros
    tbl = table.at[0].set(0.0)
    emb = jnp.take(tbl, x, axis=0)          # [B, S, D] gather
    pooled = emb.mean(axis=1)               # [B, D]
    logits = pooled @ W.T + b               # [B, C]
    return logits

if __name__ == "__main__":
    import jax
    _d = setup_inputs()
    print(jax.jit(kernel)(*tuple(_d.values())))

</pallas_src>

<mosaic_0001>
#map = affine_map<(d0, d1) -> (0, 0)>
module attributes {stable_mosaic.version = 14 : i64} {
  func.func @body(%arg0: i32, %arg1: i32, %arg2: memref<4096x200xi32, #tpu.memory_space<hbm>>, %arg3: memref<1000000x32xf32, #tpu.memory_space<hbm>>, %arg4: memref<4096x32xf32, #tpu.memory_space<hbm>>, %arg5: memref<128x200xi32, #tpu.memory_space<vmem>>, %arg6: memref<200x32xf32, #tpu.memory_space<vmem>>, %arg7: memref<128x32xf32, #tpu.memory_space<vmem>>, %arg8: memref<!tpu.dma_semaphore, #tpu.memory_space<semaphore_mem>>) attributes {dimension_semantics = [#tpu.dimension_semantics<core_parallel>, #tpu.dimension_semantics<subcore_parallel>], iteration_bounds = array<i64: 2, 16>, scalar_prefetch = 0 : i64, scratch_operands = 4 : i64, tpu.core_type = #tpu.core_type<sc_vector_subcore>, window_params = [{transform_indices = #map}, {transform_indices = #map}, {transform_indices = #map}]} {
    %mul3A = arith.constant 2 : i32
    %mul3A_0 = arith.muli %arg1, %mul3A : i32
    %add3A = arith.addi %mul3A_0, %arg0 : i32
    %mul3A_1 = arith.constant 128 : i32
    %mul3A_2 = arith.muli %add3A, %mul3A_1 : i32
    "tpu.region"() ({
      %run_scoped3A = tpu.sem_alloc : memref<!tpu.dma_semaphore, #tpu.memory_space<semaphore_mem>>
      %dma_start3A = arith.constant 0 : i32
      %dma_start3A_9 = tpu.memref_slice %arg2[%mul3A_2, %dma_start3A] : memref<4096x200xi32, #tpu.memory_space<hbm>> -> memref<128x200xi32, #tpu.memory_space<hbm>>
      %dma_start3A_10 = arith.constant 0 : i32
      %dma_start3A_11 = tpu.memref_slice %arg2[%mul3A_2, %dma_start3A_10] : memref<4096x200xi32, #tpu.memory_space<hbm>> -> memref<128x200xi32, #tpu.memory_space<hbm>>
      tpu.enqueue_dma source(%dma_start3A_11 : memref<128x200xi32, #tpu.memory_space<hbm>>) target(%arg5 : memref<128x200xi32, #tpu.memory_space<vmem>>) target_semaphore(%run_scoped3A : memref<!tpu.dma_semaphore, #tpu.memory_space<semaphore_mem>>)
      %dma_wait3A = arith.constant 0 : i32
      %dma_wait3A_12 = tpu.memref_slice %arg2[%mul3A_2, %dma_wait3A] : memref<4096x200xi32, #tpu.memory_space<hbm>> -> memref<128x200xi32, #tpu.memory_space<hbm>>
      %dma_wait3A_13 = arith.constant 0 : i32
      %dma_wait3A_14 = tpu.memref_slice %arg2[%mul3A_2, %dma_wait3A_13] : memref<4096x200xi32, #tpu.memory_space<hbm>> -> memref<128x200xi32, #tpu.memory_space<hbm>>
      tpu.wait_dma2 semaphore(%run_scoped3A : memref<!tpu.dma_semaphore, #tpu.memory_space<semaphore_mem>>) src(%dma_wait3A_14 : memref<128x200xi32, #tpu.memory_space<hbm>>) dst(%arg5 : memref<128x200xi32, #tpu.memory_space<vmem>>)
      tpu.yield
    }) : () -> ()
    %broadcast_in_dim3A = arith.constant 0.000000e+00 : f32
    %broadcast_in_dim3A_3 = vector.broadcast %broadcast_in_dim3A : f32 to vector<16xf32>
    %scan3A = arith.constant 0 : i32
    %scan3A_4 = arith.constant 0 : i32
    %scan3A_5 = arith.constant 128 : i32
    %scan3A_6 = arith.addi %scan3A_4, %scan3A_5 : i32
    %scan3A_7 = arith.constant 1 : i32
    scf.for %scan3A_9 = %scan3A_4 to %scan3A_6 step %scan3A_7  : i32 {
      %dma_start3A = arith.constant 0 : i32
      %dma_start3A_10 = arith.constant 0 : i32
      %dma_start3A_11 = tpu.memref_slice %arg6[%dma_start3A, %dma_start3A_10] : memref<200x32xf32, #tpu.memory_space<vmem>> -> memref<128x32xf32, #tpu.memory_space<vmem>>
      %dma_start3A_12 = arith.constant 0 : i32
      %dma_start3A_13 = tpu.memref_slice %arg5[%scan3A_9, %dma_start3A_12] : memref<128x200xi32, #tpu.memory_space<vmem>> -> memref<1x128xi32, #tpu.memory_space<vmem>>
      %dma_start3A_14 = tpu.memref_squeeze %dma_start3A_13 : memref<1x128xi32, #tpu.memory_space<vmem>> -> memref<128xi32, #tpu.memory_space<vmem>>
      %dma_start3A_15 = arith.constant 0 : i32
      %dma_start3A_16 = arith.constant 0 : i32
      %dma_start3A_17 = tpu.memref_slice %arg3[%dma_start3A_15, %dma_start3A_16] : memref<1000000x32xf32, #tpu.memory_space<hbm>> -> memref<1000000x32xf32, #tpu.memory_space<hbm>>
      tpu.enqueue_indirect_dma source(%dma_start3A_17 : memref<1000000x32xf32, #tpu.memory_space<hbm>>) target(%dma_start3A_11 : memref<128x32xf32, #tpu.memory_space<vmem>>) offsets(%dma_start3A_14 : memref<128xi32, #tpu.memory_space<vmem>>) semaphore(%arg8 : memref<!tpu.dma_semaphore, #tpu.memory_space<semaphore_mem>>)
      %dma_start3A_18 = arith.constant 128 : i32
      %dma_start3A_19 = arith.constant 0 : i32
      %dma_start3A_20 = tpu.memref_slice %arg6[%dma_start3A_18, %dma_start3A_19] : memref<200x32xf32, #tpu.memory_space<vmem>> -> memref<72x32xf32, #tpu.memory_space<vmem>>
      %dma_start3A_21 = arith.constant 128 : i32
      %dma_start3A_22 = tpu.memref_slice %arg5[%scan3A_9, %dma_start3A_21] : memref<128x200xi32, #tpu.memory_space<vmem>> -> memref<1x72xi32, #tpu.memory_space<vmem>>
      %dma_start3A_23 = tpu.memref_squeeze %dma_start3A_22 : memref<1x72xi32, #tpu.memory_space<vmem>> -> memref<72xi32, #tpu.memory_space<vmem>>
      %dma_start3A_24 = arith.constant 0 : i32
      %dma_start3A_25 = arith.constant 0 : i32
      %dma_start3A_26 = tpu.memref_slice %arg3[%dma_start3A_24, %dma_start3A_25] : memref<1000000x32xf32, #tpu.memory_space<hbm>> -> memref<1000000x32xf32, #tpu.memory_space<hbm>>
      tpu.enqueue_indirect_dma source(%dma_start3A_26 : memref<1000000x32xf32, #tpu.memory_space<hbm>>) target(%dma_start3A_20 : memref<72x32xf32, #tpu.memory_space<vmem>>) offsets(%dma_start3A_23 : memref<72xi32, #tpu.memory_space<vmem>>) semaphore(%arg8 : memref<!tpu.dma_semaphore, #tpu.memory_space<semaphore_mem>>)
      %dma_wait3A = arith.constant 0 : i32
      %dma_wait3A_27 = arith.constant 0 : i32
      %dma_wait3A_28 = tpu.memref_slice %arg6[%dma_wait3A, %dma_wait3A_27] : memref<200x32xf32, #tpu.memory_space<vmem>> -> memref<128x32xf32, #tpu.memory_space<vmem>>
      %dma_wait3A_29 = arith.constant 0 : i32
      %dma_wait3A_30 = tpu.memref_slice %arg5[%scan3A_9, %dma_wait3A_29] : memref<128x200xi32, #tpu.memory_space<vmem>> -> memref<1x128xi32, #tpu.memory_space<vmem>>
      %dma_wait3A_31 = tpu.memref_squeeze %dma_wait3A_30 : memref<1x128xi32, #tpu.memory_space<vmem>> -> memref<128xi32, #tpu.memory_space<vmem>>
      %dma_wait3A_32 = arith.constant 0 : i32
      %dma_wait3A_33 = arith.constant 0 : i32
      %dma_wait3A_34 = tpu.memref_slice %arg3[%dma_wait3A_32, %dma_wait3A_33] : memref<1000000x32xf32, #tpu.memory_space<hbm>> -> memref<1000000x32xf32, #tpu.memory_space<hbm>>
      tpu.wait_indirect_dma semaphore(%arg8 : memref<!tpu.dma_semaphore, #tpu.memory_space<semaphore_mem>>) src(%dma_wait3A_34 : memref<1000000x32xf32, #tpu.memory_space<hbm>>) dst(%dma_wait3A_28 : memref<128x32xf32, #tpu.memory_space<vmem>>)
      %dma_wait3A_35 = arith.constant 128 : i32
      %dma_wait3A_36 = arith.constant 0 : i32
      %dma_wait3A_37 = tpu.memref_slice %arg6[%dma_wait3A_35, %dma_wait3A_36] : memref<200x32xf32, #tpu.memory_space<vmem>> -> memref<72x32xf32, #tpu.memory_space<vmem>>
      %dma_wait3A_38 = arith.constant 128 : i32
      %dma_wait3A_39 = tpu.memref_slice %arg5[%scan3A_9, %dma_wait3A_38] : memref<128x200xi32, #tpu.memory_space<vmem>> -> memref<1x72xi32, #tpu.memory_space<vmem>>
      %dma_wait3A_40 = tpu.memref_squeeze %dma_wait3A_39 : memref<1x72xi32, #tpu.memory_space<vmem>> -> memref<72xi32, #tpu.memory_space<vmem>>
      %dma_wait3A_41 = arith.constant 0 : i32
      %dma_wait3A_42 = arith.constant 0 : i32
      %dma_wait3A_43 = tpu.memref_slice %arg3[%dma_wait3A_41, %dma_wait3A_42] : memref<1000000x32xf32, #tpu.memory_space<hbm>> -> memref<1000000x32xf32, #tpu.memory_space<hbm>>
      tpu.wait_indirect_dma semaphore(%arg8 : memref<!tpu.dma_semaphore, #tpu.memory_space<semaphore_mem>>) src(%dma_wait3A_43 : memref<1000000x32xf32, #tpu.memory_space<hbm>>) dst(%dma_wait3A_37 : memref<72x32xf32, #tpu.memory_space<vmem>>)
      %scan3A_44 = arith.constant 0 : i32
      %scan3A_45 = arith.constant 12 : i32
      %scan3A_46 = arith.addi %scan3A_44, %scan3A_45 : i32
      %scan3A_47 = arith.constant 1 : i32
      %scan3A_48:8 = scf.for %scan3A_160 = %scan3A_44 to %scan3A_46 step %scan3A_47 iter_args(%scan3A_161 = %broadcast_in_dim3A_3, %scan3A_162 = %broadcast_in_dim3A_3, %scan3A_163 = %broadcast_in_dim3A_3, %scan3A_164 = %broadcast_in_dim3A_3, %scan3A_165 = %broadcast_in_dim3A_3, %scan3A_166 = %broadcast_in_dim3A_3, %scan3A_167 = %broadcast_in_dim3A_3, %scan3A_168 = %broadcast_in_dim3A_3) -> (vector<16xf32>, vector<16xf32>, vector<16xf32>, vector<16xf32>, vector<16xf32>, vector<16xf32>, vector<16xf32>, vector<16xf32>)  : i32 {
        %mul3A_169 = arith.constant 16 : i32
        %mul3A_170 = arith.muli %scan3A_160, %mul3A_169 : i32
        %add3A_171 = arith.constant 0 : i32
        %add3A_172 = arith.addi %mul3A_170, %add3A_171 : i32
        %get3A_173 = arith.index_cast %add3A_172 : i32 to index
        %get3A_174 = arith.constant 0 : index
        %get3A_175 = tpu.vector_load %arg6[%get3A_173, %get3A_174] {strides = array<i32>} : memref<200x32xf32, #tpu.memory_space<vmem>>, vector<1x16xf32>,
        %get3A_176 = vector.shape_cast %get3A_175 : vector<1x16xf32> to vector<16xf32>
        %add3A_177 = arith.addf %scan3A_161, %get3A_176 : vector<16xf32>
        %add3A_178 = arith.constant 0 : i32
        %add3A_179 = arith.addi %mul3A_170, %add3A_178 : i32
        %get3A_180 = arith.index_cast %add3A_179 : i32 to index
        %get3A_181 = arith.constant 16 : index
        %get3A_182 = tpu.vector_load %arg6[%get3A_180, %get3A_181] {strides = array<i32>} : memref<200x32xf32, #tpu.memory_space<vmem>>, vector<1x16xf32>,
        %get3A_183 = vector.shape_cast %get3A_182 : vector<1x16xf32> to vector<16xf32>
        %add3A_184 = arith.addf %scan3A_162, %get3A_183 : vector<16xf32>
        %add3A_185 = arith.constant 0 : i32
        %add3A_186 = arith.addi %mul3A_170, %add3A_185 : i32
        %add3A_187 = arith.constant 1 : i32
        %add3A_188 = arith.addi %add3A_186, %add3A_187 : i32
        %get3A_189 = arith.index_cast %add3A_188 : i32 to index
        %get3A_190 = arith.constant 0 : index
        %get3A_191 = tpu.vector_load %arg6[%get3A_189, %get3A_190] {strides = array<i32>} : memref<200x32xf32, #tpu.memory_space<vmem>>, vector<1x16xf32>,
        %get3A_192 = vector.shape_cast %get3A_191 : vector<1x16xf32> to vector<16xf32>
        %add3A_193 = arith.addf %scan3A_163, %get3A_192 : vector<16xf32>
        %add3A_194 = arith.constant 0 : i32
        %add3A_195 = arith.addi %mul3A_170, %add3A_194 : i32
        %add3A_196 = arith.constant 1 : i32
        %add3A_197 = arith.addi %add3A_195, %add3A_196 : i32
        %get3A_198 = arith.index_cast %add3A_197 : i32 to index
        %get3A_199 = arith.constant 16 : index
        %get3A_200 = tpu.vector_load %arg6[%get3A_198, %get3A_199] {strides = array<i32>} : memref<200x32xf32, #tpu.memory_space<vmem>>, vector<1x16xf32>,
        %get3A_201 = vector.shape_cast %get3A_200 : vector<1x16xf32> to vector<16xf32>
        %add3A_202 = arith.addf %scan3A_164, %get3A_201 : vector<16xf32>
        %add3A_203 = arith.constant 0 : i32
        %add3A_204 = arith.addi %mul3A_170, %add3A_203 : i32
        %add3A_205 = arith.constant 2 : i32
        %add3A_206 = arith.addi %add3A_204, %add3A_205 : i32
        %get3A_207 = arith.index_cast %add3A_206 : i32 to index
        %get3A_208 = arith.constant 0 : index
        %get3A_209 = tpu.vector_load %arg6[%get3A_207, %get3A_208] {strides = array<i32>} : memref<200x32xf32, #tpu.memory_space<vmem>>, vector<1x16xf32>,
        %get3A_210 = vector.shape_cast %get3A_209 : vector<1x16xf32> to vector<16xf32>
        %add3A_211 = arith.addf %scan3A_165, %get3A_210 : vector<16xf32>
        %add3A_212 = arith.constant 0 : i32
        %add3A_213 = arith.addi %mul3A_170, %add3A_212 : i32
        %add3A_214 = arith.constant 2 : i32
        %add3A_215 = arith.addi %add3A_213, %add3A_214 : i32
        %get3A_216 = arith.index_cast %add3A_215 : i32 to index
        %get3A_217 = arith.constant 16 : index
        %get3A_218 = tpu.vector_load %arg6[%get3A_216, %get3A_217] {strides = array<i32>} : memref<200x32xf32, #tpu.memory_space<vmem>>, vector<1x16xf32>,
        %get3A_219 = vector.shape_cast %get3A_218 : vector<1x16xf32> to vector<16xf32>
        %add3A_220 = arith.addf %scan3A_166, %get3A_219 : vector<16xf32>
        %add3A_221 = arith.constant 0 : i32
        %add3A_222 = arith.addi %mul3A_170, %add3A_221 : i32
        %add3A_223 = arith.constant 3 : i32
        %add3A_224 = arith.addi %add3A_222, %add3A_223 : i32
        %get3A_225 = arith.index_cast %add3A_224 : i32 to index
        %get3A_226 = arith.constant 0 : index
        %get3A_227 = tpu.vector_load %arg6[%get3A_225, %get3A_226] {strides = array<i32>} : memref<200x32xf32, #tpu.memory_space<vmem>>, vector<1x16xf32>,
        %get3A_228 = vector.shape_cast %get3A_227 : vector<1x16xf32> to vector<16xf32>
        %add3A_229 = arith.addf %scan3A_167, %get3A_228 : vector<16xf32>
        %add3A_230 = arith.constant 0 : i32
        %add3A_231 = arith.addi %mul3A_170, %add3A_230 : i32
        %add3A_232 = arith.constant 3 : i32
        %add3A_233 = arith.addi %add3A_231, %add3A_232 : i32
        %get3A_234 = arith.index_cast %add3A_233 : i32 to index
        %get3A_235 = arith.constant 16 : index
        %get3A_236 = tpu.vector_load %arg6[%get3A_234, %get3A_235] {strides = array<i32>} : memref<200x32xf32, #tpu.memory_space<vmem>>, vector<1x16xf32>,
        %get3A_237 = vector.shape_cast %get3A_236 : vector<1x16xf32> to vector<16xf32>
        %add3A_238 = arith.addf %scan3A_168, %get3A_237 : vector<16xf32>
        %add3A_239 = arith.constant 4 : i32
        %add3A_240 = arith.addi %mul3A_170, %add3A_239 : i32
        %get3A_241 = arith.index_cast %add3A_240 : i32 to index
        %get3A_242 = arith.constant 0 : index
        %get3A_243 = tpu.vector_load %arg6[%get3A_241, %get3A_242] {strides = array<i32>} : memref<200x32xf32, #tpu.memory_space<vmem>>, vector<1x16xf32>,
        %get3A_244 = vector.shape_cast %get3A_243 : vector<1x16xf32> to vector<16xf32>
        %add3A_245 = arith.addf %add3A_177, %get3A_244 : vector<16xf32>
        %add3A_246 = arith.constant 4 : i32
        %add3A_247 = arith.addi %mul3A_170, %add3A_246 : i32
        %get3A_248 = arith.index_cast %add3A_247 : i32 to index
        %get3A_249 = arith.constant 16 : index
        %get3A_250 = tpu.vector_load %arg6[%get3A_248, %get3A_249] {strides = array<i32>} : memref<200x32xf32, #tpu.memory_space<vmem>>, vector<1x16xf32>,
        %get3A_251 = vector.shape_cast %get3A_250 : vector<1x16xf32> to vector<16xf32>
        %add3A_252 = arith.addf %add3A_184, %get3A_251 : vector<16xf32>
        %add3A_253 = arith.constant 4 : i32
        %add3A_254 = arith.addi %mul3A_170, %add3A_253 : i32
        %add3A_255 = arith.constant 1 : i32
        %add3A_256 = arith.addi %add3A_254, %add3A_255 : i32
        %get3A_257 = arith.index_cast %add3A_256 : i32 to index
        %get3A_258 = arith.constant 0 : index
        %get3A_259 = tpu.vector_load %arg6[%get3A_257, %get3A_258] {strides = array<i32>} : memref<200x32xf32, #tpu.memory_space<vmem>>, vector<1x16xf32>,
        %get3A_260 = vector.shape_cast %get3A_259 : vector<1x16xf32> to vector<16xf32>
        %add3A_261 = arith.addf %add3A_193, %get3A_260 : vector<16xf32>
        %add3A_262 = arith.constant 4 : i32
        %add3A_263 = arith.addi %mul3A_170, %add3A_262 : i32
        %add3A_264 = arith.constant 1 : i32
        %add3A_265 = arith.addi %add3A_263, %add3A_264 : i32
        %get3A_266 = arith.index_cast %add3A_265 : i32 to index
        %get3A_267 = arith.constant 16 : index
        %get3A_268 = tpu.vector_load %arg6[%get3A_266, %get3A_267] {strides = array<i32>} : memref<200x32xf32, #tpu.memory_space<vmem>>, vector<1x16xf32>,
        %get3A_269 = vector.shape_cast %get3A_268 : vector<1x16xf32> to vector<16xf32>
        %add3A_270 = arith.addf %add3A_202, %get3A_269 : vector<16xf32>
        %add3A_271 = arith.constant 4 : i32
        %add3A_272 = arith.addi %mul3A_170, %add3A_271 : i32
        %add3A_273 = arith.constant 2 : i32
        %add3A_274 = arith.addi %add3A_272, %add3A_273 : i32
        %get3A_275 = arith.index_cast %add3A_274 : i32 to index
        %get3A_276 = arith.constant 0 : index
        %get3A_277 = tpu.vector_load %arg6[%get3A_275, %get3A_276] {strides = array<i32>} : memref<200x32xf32, #tpu.memory_space<vmem>>, vector<1x16xf32>,
        %get3A_278 = vector.shape_cast %get3A_277 : vector<1x16xf32> to vector<16xf32>
        %add3A_279 = arith.addf %add3A_211, %get3A_278 : vector<16xf32>
        %add3A_280 = arith.constant 4 : i32
        %add3A_281 = arith.addi %mul3A_170, %add3A_280 : i32
        %add3A_282 = arith.constant 2 : i32
        %add3A_283 = arith.addi %add3A_281, %add3A_282 : i32
        %get3A_284 = arith.index_cast %add3A_283 : i32 to index
        %get3A_285 = arith.constant 16 : index
        %get3A_286 = tpu.vector_load %arg6[%get3A_284, %get3A_285] {strides = array<i32>} : memref<200x32xf32, #tpu.memory_space<vmem>>, vector<1x16xf32>,
        %get3A_287 = vector.shape_cast %get3A_286 : vector<1x16xf32> to vector<16xf32>
        %add3A_288 = arith.addf %add3A_220, %get3A_287 : vector<16xf32>
        %add3A_289 = arith.constant 4 : i32
        %add3A_290 = arith.addi %mul3A_170, %add3A_289 : i32
        %add3A_291 = arith.constant 3 : i32
        %add3A_292 = arith.addi %add3A_290, %add3A_291 : i32
        %get3A_293 = arith.index_cast %add3A_292 : i32 to index
        %get3A_294 = arith.constant 0 : index
        %get3A_295 = tpu.vector_load %arg6[%get3A_293, %get3A_294] {strides = array<i32>} : memref<200x32xf32, #tpu.memory_space<vmem>>, vector<1x16xf32>,
        %get3A_296 = vector.shape_cast %get3A_295 : vector<1x16xf32> to vector<16xf32>
        %add3A_297 = arith.addf %add3A_229, %get3A_296 : vector<16xf32>
        %add3A_298 = arith.constant 4 : i32
        %add3A_299 = arith.addi %mul3A_170, %add3A_298 : i32
        %add3A_300 = arith.constant 3 : i32
        %add3A_301 = arith.addi %add3A_299, %add3A_300 : i32
        %get3A_302 = arith.index_cast %add3A_301 : i32 to index
        %get3A_303 = arith.constant 16 : index
        %get3A_304 = tpu.vector_load %arg6[%get3A_302, %get3A_303] {strides = array<i32>} : memref<200x32xf32, #tpu.memory_space<vmem>>, vector<1x16xf32>,
        %get3A_305 = vector.shape_cast %get3A_304 : vector<1x16xf32> to vector<16xf32>
        %add3A_306 = arith.addf %add3A_238, %get3A_305 : vector<16xf32>
        %add3A_307 = arith.constant 8 : i32
        %add3A_308 = arith.addi %mul3A_170, %add3A_307 : i32
        %get3A_309 = arith.index_cast %add3A_308 : i32 to index
        %get3A_310 = arith.constant 0 : index
        %get3A_311 = tpu.vector_load %arg6[%get3A_309, %get3A_310] {strides = array<i32>} : memref<200x32xf32, #tpu.memory_space<vmem>>, vector<1x16xf32>,
        %get3A_312 = vector.shape_cast %get3A_311 : vector<1x16xf32> to vector<16xf32>
        %add3A_313 = arith.addf %add3A_245, %get3A_312 : vector<16xf32>
        %add3A_314 = arith.constant 8 : i32
        %add3A_315 = arith.addi %mul3A_170, %add3A_314 : i32
        %get3A_316 = arith.index_cast %add3A_315 : i32 to index
        %get3A_317 = arith.constant 16 : index
        %get3A_318 = tpu.vector_load %arg6[%get3A_316, %get3A_317] {strides = array<i32>} : memref<200x32xf32, #tpu.memory_space<vmem>>, vector<1x16xf32>,
        %get3A_319 = vector.shape_cast %get3A_318 : vector<1x16xf32> to vector<16xf32>
        %add3A_320 = arith.addf %add3A_252, %get3A_319 : vector<16xf32>
        %add3A_321 = arith.constant 8 : i32
        %add3A_322 = arith.addi %mul3A_170, %add3A_321 : i32
        %add3A_323 = arith.constant 1 : i32
        %add3A_324 = arith.addi %add3A_322, %add3A_323 : i32
        %get3A_325 = arith.index_cast %add3A_324 : i32 to index
        %get3A_326 = arith.constant 0 : index
        %get3A_327 = tpu.vector_load %arg6[%get3A_325, %get3A_326] {strides = array<i32>} : memref<200x32xf32, #tpu.memory_space<vmem>>, vector<1x16xf32>,
        %get3A_328 = vector.shape_cast %get3A_327 : vector<1x16xf32> to vector<16xf32>
        %add3A_329 = arith.addf %add3A_261, %get3A_328 : vector<16xf32>
        %add3A_330 = arith.constant 8 : i32
        %add3A_331 = arith.addi %mul3A_170, %add3A_330 : i32
        %add3A_332 = arith.constant 1 : i32
        %add3A_333 = arith.addi %add3A_331, %add3A_332 : i32
        %get3A_334 = arith.index_cast %add3A_333 : i32 to index
        %get3A_335 = arith.constant 16 : index
        %get3A_336 = tpu.vector_load %arg6[%get3A_334, %get3A_335] {strides = array<i32>} : memref<200x32xf32, #tpu.memory_space<vmem>>, vector<1x16xf32>,
        %get3A_337 = vector.shape_cast %get3A_336 : vector<1x16xf32> to vector<16xf32>
        %add3A_338 = arith.addf %add3A_270, %get3A_337 : vector<16xf32>
        %add3A_339 = arith.constant 8 : i32
        %add3A_340 = arith.addi %mul3A_170, %add3A_339 : i32
        %add3A_341 = arith.constant 2 : i32
        %add3A_342 = arith.addi %add3A_340, %add3A_341 : i32
        %get3A_343 = arith.index_cast %add3A_342 : i32 to index
        %get3A_344 = arith.constant 0 : index
        %get3A_345 = tpu.vector_load %arg6[%get3A_343, %get3A_344] {strides = array<i32>} : memref<200x32xf32, #tpu.memory_space<vmem>>, vector<1x16xf32>,
        %get3A_346 = vector.shape_cast %get3A_345 : vector<1x16xf32> to vector<16xf32>
        %add3A_347 = arith.addf %add3A_279, %get3A_346 : vector<16xf32>
        %add3A_348 = arith.constant 8 : i32
        %add3A_349 = arith.addi %mul3A_170, %add3A_348 : i32
        %add3A_350 = arith.constant 2 : i32
        %add3A_351 = arith.addi %add3A_349, %add3A_350 : i32
        %get3A_352 = arith.index_cast %add3A_351 : i32 to index
        %get3A_353 = arith.constant 16 : index
        %get3A_354 = tpu.vector_load %arg6[%get3A_352, %get3A_353] {strides = array<i32>} : memref<200x32xf32, #tpu.memory_space<vmem>>, vector<1x16xf32>,
        %get3A_355 = vector.shape_cast %get3A_354 : vector<1x16xf32> to vector<16xf32>
        %add3A_356 = arith.addf %add3A_288, %get3A_355 : vector<16xf32>
        %add3A_357 = arith.constant 8 : i32
        %add3A_358 = arith.addi %mul3A_170, %add3A_357 : i32
        %add3A_359 = arith.constant 3 : i32
        %add3A_360 = arith.addi %add3A_358, %add3A_359 : i32
        %get3A_361 = arith.index_cast %add3A_360 : i32 to index
        %get3A_362 = arith.constant 0 : index
        %get3A_363 = tpu.vector_load %arg6[%get3A_361, %get3A_362] {strides = array<i32>} : memref<200x32xf32, #tpu.memory_space<vmem>>, vector<1x16xf32>,
        %get3A_364 = vector.shape_cast %get3A_363 : vector<1x16xf32> to vector<16xf32>
        %add3A_365 = arith.addf %add3A_297, %get3A_364 : vector<16xf32>
        %add3A_366 = arith.constant 8 : i32
        %add3A_367 = arith.addi %mul3A_170, %add3A_366 : i32
        %add3A_368 = arith.constant 3 : i32
        %add3A_369 = arith.addi %add3A_367, %add3A_368 : i32
        %get3A_370 = arith.index_cast %add3A_369 : i32 to index
        %get3A_371 = arith.constant 16 : index
        %get3A_372 = tpu.vector_load %arg6[%get3A_370, %get3A_371] {strides = array<i32>} : memref<200x32xf32, #tpu.memory_space<vmem>>, vector<1x16xf32>,
        %get3A_373 = vector.shape_cast %get3A_372 : vector<1x16xf32> to vector<16xf32>
        %add3A_374 = arith.addf %add3A_306, %get3A_373 : vector<16xf32>
        %add3A_375 = arith.constant 12 : i32
        %add3A_376 = arith.addi %mul3A_170, %add3A_375 : i32
        %get3A_377 = arith.index_cast %add3A_376 : i32 to index
        %get3A_378 = arith.constant 0 : index
        %get3A_379 = tpu.vector_load %arg6[%get3A_377, %get3A_378] {strides = array<i32>} : memref<200x32xf32, #tpu.memory_space<vmem>>, vector<1x16xf32>,
        %get3A_380 = vector.shape_cast %get3A_379 : vector<1x16xf32> to vector<16xf32>
        %add3A_381 = arith.addf %add3A_313, %get3A_380 : vector<16xf32>
        %add3A_382 = arith.constant 12 : i32
        %add3A_383 = arith.addi %mul3A_170, %add3A_382 : i32
        %get3A_384 = arith.index_cast %add3A_383 : i32 to index
        %get3A_385 = arith.constant 16 : index
        %get3A_386 = tpu.vector_load %arg6[%get3A_384, %get3A_385] {strides = array<i32>} : memref<200x32xf32, #tpu.memory_space<vmem>>, vector<1x16xf32>,
        %get3A_387 = vector.shape_cast %get3A_386 : vector<1x16xf32> to vector<16xf32>
        %add3A_388 = arith.addf %add3A_320, %get3A_387 : vector<16xf32>
        %add3A_389 = arith.constant 12 : i32
        %add3A_390 = arith.addi %mul3A_170, %add3A_389 : i32
        %add3A_391 = arith.constant 1 : i32
        %add3A_392 = arith.addi %add3A_390, %add3A_391 : i32
        %get3A_393 = arith.index_cast %add3A_392 : i32 to index
        %get3A_394 = arith.constant 0 : index
        %get3A_395 = tpu.vector_load %arg6[%get3A_393, %get3A_394] {strides = array<i32>} : memref<200x32xf32, #tpu.memory_space<vmem>>, vector<1x16xf32>,
        %get3A_396 = vector.shape_cast %get3A_395 : vector<1x16xf32> to vector<16xf32>
        %add3A_397 = arith.addf %add3A_329, %get3A_396 : vector<16xf32>
        %add3A_398 = arith.constant 12 : i32
        %add3A_399 = arith.addi %mul3A_170, %add3A_398 : i32
        %add3A_400 = arith.constant 1 : i32
        %add3A_401 = arith.addi %add3A_399, %add3A_400 : i32
        %get3A_402 = arith.index_cast %add3A_401 : i32 to index
        %get3A_403 = arith.constant 16 : index
        %get3A_404 = tpu.vector_load %arg6[%get3A_402, %get3A_403] {strides = array<i32>} : memref<200x32xf32, #tpu.memory_space<vmem>>, vector<1x16xf32>,
        %get3A_405 = vector.shape_cast %get3A_404 : vector<1x16xf32> to vector<16xf32>
        %add3A_406 = arith.addf %add3A_338, %get3A_405 : vector<16xf32>
        %add3A_407 = arith.constant 12 : i32
        %add3A_408 = arith.addi %mul3A_170, %add3A_407 : i32
        %add3A_409 = arith.constant 2 : i32
        %add3A_410 = arith.addi %add3A_408, %add3A_409 : i32
        %get3A_411 = arith.index_cast %add3A_410 : i32 to index
        %get3A_412 = arith.constant 0 : index
        %get3A_413 = tpu.vector_load %arg6[%get3A_411, %get3A_412] {strides = array<i32>} : memref<200x32xf32, #tpu.memory_space<vmem>>, vector<1x16xf32>,
        %get3A_414 = vector.shape_cast %get3A_413 : vector<1x16xf32> to vector<16xf32>
        %add3A_415 = arith.addf %add3A_347, %get3A_414 : vector<16xf32>
        %add3A_416 = arith.constant 12 : i32
        %add3A_417 = arith.addi %mul3A_170, %add3A_416 : i32
        %add3A_418 = arith.constant 2 : i32
        %add3A_419 = arith.addi %add3A_417, %add3A_418 : i32
        %get3A_420 = arith.index_cast %add3A_419 : i32 to index
        %get3A_421 = arith.constant 16 : index
        %get3A_422 = tpu.vector_load %arg6[%get3A_420, %get3A_421] {strides = array<i32>} : memref<200x32xf32, #tpu.memory_space<vmem>>, vector<1x16xf32>,
        %get3A_423 = vector.shape_cast %get3A_422 : vector<1x16xf32> to vector<16xf32>
        %add3A_424 = arith.addf %add3A_356, %get3A_423 : vector<16xf32>
        %add3A_425 = arith.constant 12 : i32
        %add3A_426 = arith.addi %mul3A_170, %add3A_425 : i32
        %add3A_427 = arith.constant 3 : i32
        %add3A_428 = arith.addi %add3A_426, %add3A_427 : i32
        %get3A_429 = arith.index_cast %add3A_428 : i32 to index
        %get3A_430 = arith.constant 0 : index
        %get3A_431 = tpu.vector_load %arg6[%get3A_429, %get3A_430] {strides = array<i32>} : memref<200x32xf32, #tpu.memory_space<vmem>>, vector<1x16xf32>,
        %get3A_432 = vector.shape_cast %get3A_431 : vector<1x16xf32> to vector<16xf32>
        %add3A_433 = arith.addf %add3A_365, %get3A_432 : vector<16xf32>
        %add3A_434 = arith.constant 12 : i32
        %add3A_435 = arith.addi %mul3A_170, %add3A_434 : i32
        %add3A_436 = arith.constant 3 : i32
        %add3A_437 = arith.addi %add3A_435, %add3A_436 : i32
        %get3A_438 = arith.index_cast %add3A_437 : i32 to index
        %get3A_439 = arith.constant 16 : index
        %get3A_440 = tpu.vector_load %arg6[%get3A_438, %get3A_439] {strides = array<i32>} : memref<200x32xf32, #tpu.memory_space<vmem>>, vector<1x16xf32>,
        %get3A_441 = vector.shape_cast %get3A_440 : vector<1x16xf32> to vector<16xf32>
        %add3A_442 = arith.addf %add3A_374, %get3A_441 : vector<16xf32>
        scf.yield %add3A_381, %add3A_388, %add3A_397, %add3A_406, %add3A_415, %add3A_424, %add3A_433, %add3A_442 : vector<16xf32>, vector<16xf32>, vector<16xf32>, vector<16xf32>, vector<16xf32>, vector<16xf32>, vector<16xf32>, vector<16xf32>
      }
      %scan3A_49 = arith.constant 12 : i32
      %get3A = arith.constant 192 : i32
      %get3A_50 = arith.index_cast %get3A : i32 to index
      %get3A_51 = arith.constant 0 : index
      %get3A_52 = tpu.vector_load %arg6[%get3A_50, %get3A_51] {strides = array<i32>} : memref<200x32xf32, #tpu.memory_space<vmem>>, vector<1x16xf32>,
      %get3A_53 = vector.shape_cast %get3A_52 : vector<1x16xf32> to vector<16xf32>
      %add3A_54 = arith.addf %scan3A_48#0, %get3A_53 : vector<16xf32>
      %get3A_55 = arith.constant 192 : i32
      %get3A_56 = arith.index_cast %get3A_55 : i32 to index
      %get3A_57 = arith.constant 16 : index
      %get3A_58 = tpu.vector_load %arg6[%get3A_56, %get3A_57] {strides = array<i32>} : memref<200x32xf32, #tpu.memory_space<vmem>>, vector<1x16xf32>,
      %get3A_59 = vector.shape_cast %get3A_58 : vector<1x16xf32> to vector<16xf32>
      %add3A_60 = arith.addf %scan3A_48#1, %get3A_59 : vector<16xf32>
      %get3A_61 = arith.constant 193 : i32
      %get3A_62 = arith.index_cast %get3A_61 : i32 to index
      %get3A_63 = arith.constant 0 : index
      %get3A_64 = tpu.vector_load %arg6[%get3A_62, %get3A_63] {strides = array<i32>} : memref<200x32xf32, #tpu.memory_space<vmem>>, vector<1x16xf32>,
      %get3A_65 = vector.shape_cast %get3A_64 : vector<1x16xf32> to vector<16xf32>
      %add3A_66 = arith.addf %scan3A_48#2, %get3A_65 : vector<16xf32>
      %get3A_67 = arith.constant 193 : i32
      %get3A_68 = arith.index_cast %get3A_67 : i32 to index
      %get3A_69 = arith.constant 16 : index
      %get3A_70 = tpu.vector_load %arg6[%get3A_68, %get3A_69] {strides = array<i32>} : memref<200x32xf32, #tpu.memory_space<vmem>>, vector<1x16xf32>,
      %get3A_71 = vector.shape_cast %get3A_70 : vector<1x16xf32> to vector<16xf32>
      %add3A_72 = arith.addf %scan3A_48#3, %get3A_71 : vector<16xf32>
      %get3A_73 = arith.constant 194 : i32
      %get3A_74 = arith.index_cast %get3A_73 : i32 to index
      %get3A_75 = arith.constant 0 : index
      %get3A_76 = tpu.vector_load %arg6[%get3A_74, %get3A_75] {strides = array<i32>} : memref<200x32xf32, #tpu.memory_space<vmem>>, vector<1x16xf32>,
      %get3A_77 = vector.shape_cast %get3A_76 : vector<1x16xf32> to vector<16xf32>
      %add3A_78 = arith.addf %scan3A_48#4, %get3A_77 : vector<16xf32>
      %get3A_79 = arith.constant 194 : i32
      %get3A_80 = arith.index_cast %get3A_79 : i32 to index
      %get3A_81 = arith.constant 16 : index
      %get3A_82 = tpu.vector_load %arg6[%get3A_80, %get3A_81] {strides = array<i32>} : memref<200x32xf32, #tpu.memory_space<vmem>>, vector<1x16xf32>,
      %get3A_83 = vector.shape_cast %get3A_82 : vector<1x16xf32> to vector<16xf32>
      %add3A_84 = arith.addf %scan3A_48#5, %get3A_83 : vector<16xf32>
      %get3A_85 = arith.constant 195 : i32
      %get3A_86 = arith.index_cast %get3A_85 : i32 to index
      %get3A_87 = arith.constant 0 : index
      %get3A_88 = tpu.vector_load %arg6[%get3A_86, %get3A_87] {strides = array<i32>} : memref<200x32xf32, #tpu.memory_space<vmem>>, vector<1x16xf32>,
      %get3A_89 = vector.shape_cast %get3A_88 : vector<1x16xf32> to vector<16xf32>
      %add3A_90 = arith.addf %scan3A_48#6, %get3A_89 : vector<16xf32>
      %get3A_91 = arith.constant 195 : i32
      %get3A_92 = arith.index_cast %get3A_91 : i32 to index
      %get3A_93 = arith.constant 16 : index
      %get3A_94 = tpu.vector_load %arg6[%get3A_92, %get3A_93] {strides = array<i32>} : memref<200x32xf32, #tpu.memory_space<vmem>>, vector<1x16xf32>,
      %get3A_95 = vector.shape_cast %get3A_94 : vector<1x16xf32> to vector<16xf32>
      %add3A_96 = arith.addf %scan3A_48#7, %get3A_95 : vector<16xf32>
      %get3A_97 = arith.constant 196 : i32
      %get3A_98 = arith.index_cast %get3A_97 : i32 to index
      %get3A_99 = arith.constant 0 : index
      %get3A_100 = tpu.vector_load %arg6[%get3A_98, %get3A_99] {strides = array<i32>} : memref<200x32xf32, #tpu.memory_space<vmem>>, vector<1x16xf32>,
      %get3A_101 = vector.shape_cast %get3A_100 : vector<1x16xf32> to vector<16xf32>
      %add3A_102 = arith.addf %add3A_54, %get3A_101 : vector<16xf32>
      %get3A_103 = arith.constant 196 : i32
      %get3A_104 = arith.index_cast %get3A_103 : i32 to index
      %get3A_105 = arith.constant 16 : index
      %get3A_106 = tpu.vector_load %arg6[%get3A_104, %get3A_105] {strides = array<i32>} : memref<200x32xf32, #tpu.memory_space<vmem>>, vector<1x16xf32>,
      %get3A_107 = vector.shape_cast %get3A_106 : vector<1x16xf32> to vector<16xf32>
      %add3A_108 = arith.addf %add3A_60, %get3A_107 : vector<16xf32>
      %get3A_109 = arith.constant 197 : i32
      %get3A_110 = arith.index_cast %get3A_109 : i32 to index
      %get3A_111 = arith.constant 0 : index
      %get3A_112 = tpu.vector_load %arg6[%get3A_110, %get3A_111] {strides = array<i32>} : memref<200x32xf32, #tpu.memory_space<vmem>>, vector<1x16xf32>,
      %get3A_113 = vector.shape_cast %get3A_112 : vector<1x16xf32> to vector<16xf32>
      %add3A_114 = arith.addf %add3A_66, %get3A_113 : vector<16xf32>
      %get3A_115 = arith.constant 197 : i32
      %get3A_116 = arith.index_cast %get3A_115 : i32 to index
      %get3A_117 = arith.constant 16 : index
      %get3A_118 = tpu.vector_load %arg6[%get3A_116, %get3A_117] {strides = array<i32>} : memref<200x32xf32, #tpu.memory_space<vmem>>, vector<1x16xf32>,
      %get3A_119 = vector.shape_cast %get3A_118 : vector<1x16xf32> to vector<16xf32>
      %add3A_120 = arith.addf %add3A_72, %get3A_119 : vector<16xf32>
      %get3A_121 = arith.constant 198 : i32
      %get3A_122 = arith.index_cast %get3A_121 : i32 to index
      %get3A_123 = arith.constant 0 : index
      %get3A_124 = tpu.vector_load %arg6[%get3A_122, %get3A_123] {strides = array<i32>} : memref<200x32xf32, #tpu.memory_space<vmem>>, vector<1x16xf32>,
      %get3A_125 = vector.shape_cast %get3A_124 : vector<1x16xf32> to vector<16xf32>
      %add3A_126 = arith.addf %add3A_78, %get3A_125 : vector<16xf32>
      %get3A_127 = arith.constant 198 : i32
      %get3A_128 = arith.index_cast %get3A_127 : i32 to index
      %get3A_129 = arith.constant 16 : index
      %get3A_130 = tpu.vector_load %arg6[%get3A_128, %get3A_129] {strides = array<i32>} : memref<200x32xf32, #tpu.memory_space<vmem>>, vector<1x16xf32>,
      %get3A_131 = vector.shape_cast %get3A_130 : vector<1x16xf32> to vector<16xf32>
      %add3A_132 = arith.addf %add3A_84, %get3A_131 : vector<16xf32>
      %get3A_133 = arith.constant 199 : i32
      %get3A_134 = arith.index_cast %get3A_133 : i32 to index
      %get3A_135 = arith.constant 0 : index
      %get3A_136 = tpu.vector_load %arg6[%get3A_134, %get3A_135] {strides = array<i32>} : memref<200x32xf32, #tpu.memory_space<vmem>>, vector<1x16xf32>,
      %get3A_137 = vector.shape_cast %get3A_136 : vector<1x16xf32> to vector<16xf32>
      %add3A_138 = arith.addf %add3A_90, %get3A_137 : vector<16xf32>
      %get3A_139 = arith.constant 199 : i32
      %get3A_140 = arith.index_cast %get3A_139 : i32 to index
      %get3A_141 = arith.constant 16 : index
      %get3A_142 = tpu.vector_load %arg6[%get3A_140, %get3A_141] {strides = array<i32>} : memref<200x32xf32, #tpu.memory_space<vmem>>, vector<1x16xf32>,
      %get3A_143 = vector.shape_cast %get3A_142 : vector<1x16xf32> to vector<16xf32>
      %add3A_144 = arith.addf %add3A_96, %get3A_143 : vector<16xf32>
      %add3A_145 = arith.addf %add3A_102, %add3A_114 : vector<16xf32>
      %add3A_146 = arith.addf %add3A_126, %add3A_138 : vector<16xf32>
      %add3A_147 = arith.addf %add3A_145, %add3A_146 : vector<16xf32>
      %add3A_148 = arith.addf %add3A_108, %add3A_120 : vector<16xf32>
      %add3A_149 = arith.addf %add3A_132, %add3A_144 : vector<16xf32>
      %add3A_150 = arith.addf %add3A_148, %add3A_149 : vector<16xf32>
      %swap3A = arith.index_cast %scan3A_9 : i32 to index
      %swap3A_151 = arith.constant 0 : index
      %swap3A_152 = tpu.vector_load %arg7[%swap3A, %swap3A_151] {strides = array<i32>} : memref<128x32xf32, #tpu.memory_space<vmem>>, vector<1x16xf32>,
      %swap3A_153 = vector.shape_cast %swap3A_152 : vector<1x16xf32> to vector<16xf32>
      %swap3A_154 = vector.shape_cast %add3A_147 : vector<16xf32> to vector<1x16xf32>
      tpu.vector_store %arg7[%swap3A, %swap3A_151], %swap3A_154 {strides = array<i32>} : memref<128x32xf32, #tpu.memory_space<vmem>>, vector<1x16xf32>,
      %swap3A_155 = arith.index_cast %scan3A_9 : i32 to index
      %swap3A_156 = arith.constant 16 : index
      %swap3A_157 = tpu.vector_load %arg7[%swap3A_155, %swap3A_156] {strides = array<i32>} : memref<128x32xf32, #tpu.memory_space<vmem>>, vector<1x16xf32>,
      %swap3A_158 = vector.shape_cast %swap3A_157 : vector<1x16xf32> to vector<16xf32>
      %swap3A_159 = vector.shape_cast %add3A_150 : vector<16xf32> to vector<1x16xf32>
      tpu.vector_store %arg7[%swap3A_155, %swap3A_156], %swap3A_159 {strides = array<i32>} : memref<128x32xf32, #tpu.memory_space<vmem>>, vector<1x16xf32>,
    }
    %scan3A_8 = arith.constant 128 : i32
    "tpu.region"() ({
      %run_scoped3A = tpu.sem_alloc : memref<!tpu.dma_semaphore, #tpu.memory_space<semaphore_mem>>
      %dma_start3A = arith.constant 0 : i32
      %dma_start3A_9 = tpu.memref_slice %arg4[%mul3A_2, %dma_start3A] : memref<4096x32xf32, #tpu.memory_space<hbm>> -> memref<128x32xf32, #tpu.memory_space<hbm>>
      %dma_start3A_10 = arith.constant 0 : i32
      %dma_start3A_11 = tpu.memref_slice %arg4[%mul3A_2, %dma_start3A_10] : memref<4096x32xf32, #tpu.memory_space<hbm>> -> memref<128x32xf32, #tpu.memory_space<hbm>>
      tpu.enqueue_dma source(%arg7 : memref<128x32xf32, #tpu.memory_space<vmem>>) target(%dma_start3A_11 : memref<128x32xf32, #tpu.memory_space<hbm>>) target_semaphore(%run_scoped3A : memref<!tpu.dma_semaphore, #tpu.memory_space<semaphore_mem>>)
      %dma_wait3A = arith.constant 0 : i32
      %dma_wait3A_12 = tpu.memref_slice %arg4[%mul3A_2, %dma_wait3A] : memref<4096x32xf32, #tpu.memory_space<hbm>> -> memref<128x32xf32, #tpu.memory_space<hbm>>
      %dma_wait3A_13 = arith.constant 0 : i32
      %dma_wait3A_14 = tpu.memref_slice %arg4[%mul3A_2, %dma_wait3A_13] : memref<4096x32xf32, #tpu.memory_space<hbm>> -> memref<128x32xf32, #tpu.memory_space<hbm>>
      tpu.wait_dma2 semaphore(%run_scoped3A : memref<!tpu.dma_semaphore, #tpu.memory_space<semaphore_mem>>) src(%arg7 : memref<128x32xf32, #tpu.memory_space<vmem>>) dst(%dma_wait3A_14 : memref<128x32xf32, #tpu.memory_space<hbm>>)
      tpu.yield
    }) : () -> ()
    return
  }
}

module attributes {stable_mosaic.version = 14 : i64} {
  func.func @body(%arg0: i32, %arg1: memref<1024x32xf32, #tpu.memory_space<vmem>>, %arg2: memref<1024x200xi32, #tpu.memory_space<vmem>>, %arg3: memref<1x32xf32, #tpu.memory_space<vmem>>, %arg4: memref<32x128xf32, #tpu.memory_space<vmem>>, %arg5: memref<1x128xf32, #tpu.memory_space<vmem>>, %arg6: memref<1024x128xf32, #tpu.memory_space<vmem>>) attributes {dimension_semantics = [#tpu.dimension_semantics<arbitrary>], iteration_bounds = array<i64: 4>, scalar_prefetch = 0 : i64, scratch_operands = 0 : i64, tpu.core_type = #tpu.core_type<tc>, window_params = [{transform_indices = @transform_0, window_bounds = array<i64: 1024, 32>}, {transform_indices = @transform_1, window_bounds = array<i64: 1024, 200>}, {pipeline_mode = #tpu.pipeline_mode<synchronous>, transform_indices = @transform_2, window_bounds = array<i64: 1, 32>}, {pipeline_mode = #tpu.pipeline_mode<synchronous>, transform_indices = @transform_3, window_bounds = array<i64: 32, 128>}, {pipeline_mode = #tpu.pipeline_mode<synchronous>, transform_indices = @transform_4, window_bounds = array<i64: 1, 128>}, {transform_indices = @transform_5, window_bounds = array<i64: 1024, 128>}]} {
    %get3A = arith.constant 0 : index
    %get3A_0 = arith.constant 0 : index
    %get3A_1 = vector.load %arg2[%get3A, %get3A_0] : memref<1024x200xi32, #tpu.memory_space<vmem>>, vector<1024x200xi32>
    %eq3A = arith.constant 0 : i32
    %eq3A_2 = vector.broadcast %eq3A : i32 to vector<1024x200xi32>
    %eq3A_3 = arith.cmpi eq, %get3A_1, %eq3A_2 : vector<1024x200xi32>
    %convert_element_type3A = arith.extui %eq3A_3 : vector<1024x200xi1> to vector<1024x200xi32>
    %convert_element_type3A_4 = arith.sitofp %convert_element_type3A : vector<1024x200xi32> to vector<1024x200xf32>
    %reduce_sum3A = arith.constant dense<0.000000e+00> : vector<1024xf32>
    %reduce_sum3A_5 = vector.multi_reduction <add>, %convert_element_type3A_4, %reduce_sum3A [1] : vector<1024x200xf32> to vector<1024xf32>
    %broadcast_in_dim3A = vector.shape_cast %reduce_sum3A_5 : vector<1024xf32> to vector<1024x1xf32>
    %get3A_6 = arith.constant 0 : index
    %get3A_7 = arith.constant 0 : index
    %get3A_8 = vector.load %arg1[%get3A_6, %get3A_7] : memref<1024x32xf32, #tpu.memory_space<vmem>>, vector<1024x32xf32>
    %get3A_9 = arith.constant 0 : index
    %get3A_10 = arith.constant 0 : index
    %get3A_11 = vector.load %arg3[%get3A_9, %get3A_10] : memref<1x32xf32, #tpu.memory_space<vmem>>, vector<1x32xf32>
    %mul3A = vector.broadcast %broadcast_in_dim3A : vector<1024x1xf32> to vector<1024x32xf32>
    %mul3A_12 = vector.broadcast %get3A_11 : vector<1x32xf32> to vector<1024x32xf32>
    %mul3A_13 = arith.mulf %mul3A, %mul3A_12 : vector<1024x32xf32>
    %sub3A = arith.subf %get3A_8, %mul3A_13 : vector<1024x32xf32>
    %get3A_14 = arith.constant 0 : index
    %get3A_15 = arith.constant 0 : index
    %get3A_16 = vector.load %arg4[%get3A_14, %get3A_15] : memref<32x128xf32, #tpu.memory_space<vmem>>, vector<32x128xf32>
    %dot_general3A = arith.constant dense<0.000000e+00> : vector<1024x128xf32>
    %dot_general3A_17 = tpu.matmul %sub3A, %get3A_16, %dot_general3A {dimension_numbers = #tpu.dot_dimension_numbers<[1], [0], [0], [1], [0, 0, 1, 1], [], []>, transpose_lhs_hint = false} : vector<1024x32xf32>, vector<32x128xf32>, vector<1024x128xf32> -> vector<1024x128xf32>
    %get3A_18 = arith.constant 0 : index
    %get3A_19 = arith.constant 0 : index
    %get3A_20 = vector.load %arg5[%get3A_18, %get3A_19] : memref<1x128xf32, #tpu.memory_space<vmem>>, vector<1x128xf32>
    %add3A = vector.broadcast %get3A_20 : vector<1x128xf32> to vector<1024x128xf32>
    %add3A_21 = arith.addf %dot_general3A_17, %add3A : vector<1024x128xf32>
    %swap3A = arith.constant 0 : index
    %swap3A_22 = arith.constant 0 : index
    %swap3A_23 = vector.load %arg6[%swap3A, %swap3A_22] : memref<1024x128xf32, #tpu.memory_space<vmem>>, vector<1024x128xf32>
    tpu.vector_store %arg6[%swap3A, %swap3A_22], %add3A_21 {strides = array<i32>} : memref<1024x128xf32, #tpu.memory_space<vmem>>, vector<1024x128xf32>,
    return
  }
  func.func @transform_0(%arg0: i32) -> (i32, i32) {
    %c0_i32 = arith.constant 0 : i32
    %c0_i32_0 = arith.constant 0 : i32
    return %arg0, %c0_i32 : i32, i32
  }
  func.func @transform_1(%arg0: i32) -> (i32, i32) {
    %c0_i32 = arith.constant 0 : i32
    %c0_i32_0 = arith.constant 0 : i32
    return %arg0, %c0_i32 : i32, i32
  }
  func.func @transform_2(%arg0: i32) -> (i32, i32) {
    %c0_i32 = arith.constant 0 : i32
    %c0_i32_0 = arith.constant 0 : i32
    %c0_i32_1 = arith.constant 0 : i32
    return %c0_i32, %c0_i32_0 : i32, i32
  }
  func.func @transform_3(%arg0: i32) -> (i32, i32) {
    %c0_i32 = arith.constant 0 : i32
    %c0_i32_0 = arith.constant 0 : i32
    %c0_i32_1 = arith.constant 0 : i32
    return %c0_i32, %c0_i32_0 : i32, i32
  }
  func.func @transform_4(%arg0: i32) -> (i32, i32) {
    %c0_i32 = arith.constant 0 : i32
    %c0_i32_0 = arith.constant 0 : i32
    %c0_i32_1 = arith.constant 0 : i32
    return %c0_i32, %c0_i32_0 : i32, i32
  }
  func.func @transform_5(%arg0: i32) -> (i32, i32) {
    %c0_i32 = arith.constant 0 : i32
    %c0_i32_0 = arith.constant 0 : i32
    return %arg0, %c0_i32 : i32, i32
  }
}

</mosaic_0001>

<sc_bundles>
// kernel: kernel.4.cloned.1.call-start
scs
__scs_entry_jumppad:
0x0: {  	(pc) =	sbr.rel $0x88, $3  }
0x1: {  	(tag) =	ssettag $0x0;
	lr =	simm.s32 $0x1  }
0x2: {  	[smem:$0x3F9D] =	sst lr;
	_ =	strace $0xD0000000  }
0x3: {  	_ = 	snop  }
0x4: {  	_ = 	snop  }
0x5: {  	_ = 	snop  }
0x6: {  	_ = 	snop  }
0x7: {  	_ = 	snop  }
__scs_overlays_trampoline_lowered:
0x8: {  	[smem:$0x3FAC] =	sst s0  }
0x9: {  	[smem:$0x3FAD] =	sst s1  }
0xa: {  	[smem:$0x3FAE] =	sst s2  }
0xb: {  	[smem:$0x3FAF] =	sst s3  }
0xc: {  	[smem:$0x3FB0] =	sst s4  }
0xd: {  	[smem:$0x3FB1] =	sst s5  }
0xe: {  	[smem:$0x3FB2] =	sst s6  }
0xf: {  	[smem:$0x3FB3] =	sst s7  }
0x10: {  	[smem:$0x3FB4] =	sst s8  }
0x11: {  	[smem:$0x3FB5] =	sst s9;
	s0 =	simm.s32 @!p0 $0x0  }
0x12: {  	s1 =	sld [smem:$0x3F9B];
	s0 =	simm.s32 @p0 $0x1  }
0x13: {  	[smem:$0x3FB6] =	sst s0;
	s0 =	simm.s32 @!p1 $0x0  }
0x14: {  	s2 =	sld [smem:$0x3F9A];
	s0 =	simm.s32 @p1 $0x1  }
0x15: {  	[smem:$0x3FB7] =	sst s0;
	s0 =	simm.s32 @!p2 $0x0  }
0x16: {  	s3 =	sld [smem:$0x3FDB];
	s0 =	simm.s32 @p2 $0x1  }
0x17: {  	s4 =	simm.s32 $0x1BF5;
	[smem:$0x3FB9] =	sst s0  }
0x18: {  	s0 =	sld [smem:$0x3F9C];
	_ =	swait.ge [sflag:s4], $0x0  }
0x19: {  	s7 =	sld [smem:$0x3F9D]  }
0x1a: {  	s8 =	sadd.s32 $0xFFFFE003, lr  }
0x1b: {  	s9 =	sadd.s32 $0xFFFFFEF7, lr;
	s5 =	simm.s32 $0xFFFFFFFF;
	p2 =	slt.u32 s8, $0xFFFFF086  }
0x1c: {  	p1 =	slt.u32 s9, $0xF7A;
	s5 =	simm.s32 @!p2 $0x0  }
0x1d: {  	s5 =	simm.s32 @p1 $0x1;
	p0 =	seq.s32 s7, s2  }
0x1e: {  	s7 =	smul.u32 @!p0 $0xF7A, s2;
	p2 =	seq.s32 @!p0 s5, $0x0  }
0x1f: {  	s9 =	smul.u32 $0xF7A, s1;
	s8 =	simm.s32 @!p0 $0x1BF5;
	p2 =	por !p2, p0  }
0x20: {  	[sflag:s8] =	ssyncset.s32 @!p0 $0xFFFFF086;
	s6 =	sadd.s32 @!p0 s3, s7;
	s7 =	simm.s32 @!p0 $0x108  }
0x21: {  	s3 =	sadd.s32 s3, s9;
	s6 =	sadd.s32 @!p0 $0x88, s6;
	s7 =	simm.s32 @p2 $0x1082  }
0x22: {  	[simem:s7], [sflag:s8] =	dma.local @!p0 [hbm:s6], $0xF7A  }
0x23: {  	s9 =	sor.u32 $0xD0000000, s2;
	s6 =	simm.s32 $0x108;
	_ =	swait.ge @!p0 [sflag:s8], $0x0  }
0x24: {  	s3 =	sadd.s32 $0x88, s3;
	s6 =	simm.s32 @!p1 $0x1082;
	[sflag:s4] =	ssyncset.s32 $0xFFFFF086  }
0x25: {  	[simem:s6], [sflag:s4] =	dma.local [hbm:s3], $0xF7A  }
0x26: {  	[smem:$0x3F9D] =	sst s1;
	(tag) =	ssettag s2;
	_ =	strace s9  }
0x27: {  	s1 =	sld [smem:$0x3FAD]  }
0x28: {  	s2 =	sld [smem:$0x3FAE]  }
0x29: {  	s4 =	sld [smem:$0x3FB0]  }
0x2a: {  	p0 =	seq.s32 s5, $0x0;
	s5 =	sld [smem:$0x3FB1]  }
0x2b: {  	s6 =	sld [smem:$0x3FB2]  }
0x2c: {  	s7 =	sld [smem:$0x3FB3]  }
0x2d: {  	s3 =	simm.s32 $0x108;
	s8 =	sld [smem:$0x3FB4]  }
0x2e: {  	s3 =	simm.s32 @!p0 $0x1082;
	s9 =	sld [smem:$0x3FB5]  }
0x2f: {  	lr =	sadd.s32 s0, s3;
	s0 =	sld [smem:$0x3FAC]  }
0x30: {  	s3 =	sld [smem:$0x3FAF]  }
0x31: {  	[smem:$0x3FB8] =	sst s10  }
0x32: {  	s10 =	sld [smem:$0x3FB6];
	_ =	sdelay $0x3  }
0x33: {  	p0 =	seq.s32 s10, $0x1;
	s10 =	sld [smem:$0x3FB8];
	_ =	sdelay $0x3  }
0x34: {  	[smem:$0x3FB8] =	sst s10  }
0x35: {  	s10 =	sld [smem:$0x3FB7];
	_ =	sdelay $0x3  }
0x36: {  	p1 =	seq.s32 s10, $0x1;
	s10 =	sld [smem:$0x3FB8];
	_ =	sdelay $0x3  }
0x37: {  	[smem:$0x3FB8] =	sst s10  }
0x38: {  	s10 =	sld [smem:$0x3FB9]  }
0x39: {  	_ = 	snop;
	(pc) =	sbr.ind lr, $3  }
0x3a: {  	_ = 	snop  }
0x3b: {  	_ = 	snop  }
0x3c: {  	p2 =	seq.s32 s10, $0x1;
	s10 =	sld [smem:$0x3FB8]  }
0x3d: {  	_ =	shalt  }
0x3e: {  	_ =	shalt  }
0x3f: {  	_ =	shalt  }
0x40: {  	_ =	shalt  }
0x41: {  	_ =	shalt  }
0x42: {  	_ =	shalt  }
0x43: {  	_ =	shalt  }
0x44: {  	_ =	shalt  }
0x45: {  	_ =	shalt  }
0x46: {  	_ =	shalt  }
0x47: {  	_ =	shalt  }
0x48: {  	_ =	shalt  }
0x49: {  	_ =	shalt  }
0x4a: {  	_ =	shalt  }
0x4b: {  	_ =	shalt  }
0x4c: {  	_ =	shalt  }
0x4d: {  	_ =	shalt  }
0x4e: {  	_ =	shalt  }
0x4f: {  	_ =	shalt  }
0x50: {  	_ =	shalt  }
0x51: {  	_ =	shalt  }
0x52: {  	_ =	shalt  }
0x53: {  	_ =	shalt  }
0x54: {  	_ =	shalt  }
0x55: {  	_ =	shalt  }
0x56: {  	_ =	shalt  }
0x57: {  	_ =	shalt  }
0x58: {  	_ =	shalt  }
0x59: {  	_ =	shalt  }
0x5a: {  	_ =	shalt  }
0x5b: {  	_ =	shalt  }
0x5c: {  	_ =	shalt  }
0x5d: {  	_ =	shalt  }
0x5e: {  	_ =	shalt  }
0x5f: {  	_ =	shalt  }
0x60: {  	_ =	shalt  }
0x61: {  	_ =	shalt  }
0x62: {  	_ =	shalt  }
0x63: {  	_ =	shalt  }
0x64: {  	_ =	shalt  }
0x65: {  	_ =	shalt  }
0x66: {  	_ =	shalt  }
0x67: {  	_ =	shalt  }
0x68: {  	_ =	shalt  }
0x69: {  	_ =	shalt  }
0x6a: {  	_ =	shalt  }
0x6b: {  	_ =	shalt  }
0x6c: {  	_ =	shalt  }
0x6d: {  	_ =	shalt  }
0x6e: {  	_ =	shalt  }
0x6f: {  	_ =	shalt  }
0x70: {  	_ =	shalt  }
0x71: {  	_ =	shalt  }
0x72: {  	_ =	shalt  }
0x73: {  	_ =	shalt  }
0x74: {  	_ =	shalt  }
0x75: {  	_ =	shalt  }
0x76: {  	_ =	shalt  }
0x77: {  	_ =	shalt  }
0x78: {  	_ =	shalt  }
0x79: {  	_ =	shalt  }
0x7a: {  	_ =	shalt  }
0x7b: {  	_ =	shalt  }
0x7c: {  	_ =	shalt  }
0x7d: {  	_ =	shalt  }
0x7e: {  	_ =	shalt  }
0x7f: {  	_ =	shalt  }
0x80: {  	_ =	shalt  }
0x81: {  	_ =	shalt  }
0x82: {  	_ =	shalt  }
0x83: {  	_ =	shalt  }
0x84: {  	_ =	shalt  }
0x85: {  	_ =	shalt  }
0x86: {  	_ =	shalt  }
0x87: {  	_ =	shalt  }
.Lfunc_end0:
.L_simem_size_0:
called_computation_lowered:
.L_overlay_start_0:
0x88: {  	s2 =	sld [smem:$0x3FD9]  }
0x89: {  	s3 =	sld [smem:$0x3FFE];
	_ =	sdelay $0x1  }
0x8a: {  	s1 =	srdreg.scid  }
0x8b: {  	s0 =	sand.u32 $0x1, s1  }
0x8c: {  	s17 =	sshll.u32 s0, $0xA;
	s2 =	sadd.s32 s3, s2  }
0x8d: {  	s2 =	sadd.s32 s2, s17  }
0x8e: {  	[smem:$0x3FC4] =	sst s2  }
0x8f: {  	_ = 	snop  }
0x90: {  	s2 =	sld [smem:$0x3FD0];
	(tm) =	ssettm $0x1  }
0x91: {  	s18 =	sld [smem:$0x3FFB];
	_ =	sdelay $0x3  }
0x92: {  	_ =	strace s18  }
0x93: {  	s3 =	sld [smem:$0x3FFC];
	_ =	sdelay $0x3  }
0x94: {  	_ =	strace s3  }
0x95: {  	s3 =	sld [smem:$0x3FFD];
	_ =	sdelay $0x3  }
0x96: {  	_ =	strace s3  }
0x97: {  	_ =	strace $0x8FFFFFFF  }
0x98: {  	s19 =	sld [smem:$0x3FDB];
	_ =	sdelay $0x1  }
0x99: {  	s4 =	simm.s32 $_scs_section_size  }
0x9a: {  	s5 =	simm.s32 $_size__tile_overlayer_lowered;
	s6 =	simm.s32 $_tile_overlayer_lowered  }
0x9b: {  	s22 =	simm.s32 $0x1BFF;
	s21 =	sshll.u32 s6, $0x1;
	s3 =	sadd.s32 s4, s19  }
0x9c: {  	s7 =	simm.s32 $0x0;
	s20 =	sshll.u32 s5, $0x1;
	s5 =	sadd.s32 s21, s3  }
0x9d: {  	[timem:s7], [sflag:s22] =	dma.local [hbm:s5], s20  }
0x9e: {  	_ =	swait.ge [sflag:s22], s20  }
0x9f: {  	s4 =	ssub.s32 $0x0, s20;
	[sflag:s22] =	ssyncset.done $0x0  }
0xa0: {  	[sflag:s22] =	ssyncadd.s32 s4;
	_ =	sdelay $0x1  }
0xa1: {  	s23 =	simm.s32 $0x1B8B  }
0xa2: {  	_ =	swait.ge [sflag:s23], $0x1  }
0xa3: {  	[sflag:s23] =	ssyncset.done $0x0  }
0xa4: {  	s25 =	simm.s32 $0x1B8E;
	s24 =	sld [smem:$0x3FFE];
	[sflag:s23] =	ssyncadd.s32 $0xFFFFFFFF  }
0xa5: {  	s26 =	simm.s32 $execute0_lowered;
	[smem:$0x3FD2] =	sst s25  }
0xa6: {  	s5 =	sshll.u32 s26, $0x1;
	_ =	strace $0x80000046;
	[dreg:$0x1] =	wrdreg $0xFFFFFFFF  }
0xa7: {  	s28 =	simm.s32 $_size_execute0_lowered;
	s3 =	sadd.s32 s3, s5;
	[dreg:$0x0] =	wrdreg $0x0  }
0xa8: {  	s5 =	sshll.u32 s28, $0x1;
	[dreg:$0x2] =	wrdreg s3  }
0xa9: {  	[dreg:$0x3] =	wrdreg s5  }
0xaa: {  	[dreg:$0x4] =	wrdreg $0xC0  }
0xab: {  	_ =	task [dreg:s7], $0x5FFFF  }
0xac: {  	[dreg:$0x1] =	wrdreg $0xFFFFFFFF  }
0xad: {  	[dreg:$0x0] =	wrdreg $0x60  }
0xae: {  	[dreg:$0x2] =	wrdreg s24  }
0xaf: {  	[dreg:$0x3] =	wrdreg s2  }
0xb0: {  	[dreg:$0x4] =	wrdreg $0x9  }
0xb1: {  	_ =	task.clear_ibuf [dreg:s7], $0x5FFFF;
	_ =	strace $0x90000046  }
0xb2: {  	s29 =	simm.s32 $0x9;
	_ =	strace $0x80000048  }
0xb3: {  	_ =	swait.ge [sflag:s29], $0x1  }
0xb4: {  	[sflag:s29] =	ssyncadd.s32 $0xFFFFFFFF  }
0xb5: {  	_ =	strace $0x90000048  }
0xb6: {  	_ =	sfence  }
0xb7: {  	s30 =	sld [smem:$0x0];
	_ =	sdelay $0x2  }
0xb8: {  	s31 =	sshll.u32 s1, $0xD;
	s1 =	sshrl.u32 s1, $0x2  }
0xb9: {  	s3 =	sand.u32 $0x4000, s31;
	s1 =	sadd.s32 s1, s30  }
0xba: {  	s0 =	sor.u32 s3, s0;
	s1 =	sshll.u32 s1, $0x11  }
0xbb: {  	s0 =	sor.u32 s1, s0  }
0xbc: {  	s0 =	sadd.s32 $0x8F2B, s0  }
0xbd: {  	[sflag:s0] =	ssyncadd.remote.s32 $0x1  }
0xbe: {  	_ =	sfence.sel $0xFFFF  }
0xbf: {  	[dreg:$0x0] =	wrdreg $0xFFFFFFFF;
	(pc) =	sbr.abs _section_cstart, $3  }
0xc0: {  	[dreg:$0x1] =	wrdreg $0xFFFFFFFF  }
0xc1: {  	_ =	task.clear_ibuf [dreg:s7], $0x2FFFF;
	_ =	strace $0x9FFFFFFF  }
0xc2: {  	(tm) =	ssettm $0x7FFFFFFF  }
0xc3: {  	_ =	shalt  }
tec
execute0_lowered:
.L_overlay_start_1:
0x0: {  	(tag) =	ssettag $0x1  }
0x1: {  	s1 =	srdreg.scid  }
0x2: {  	s0 =	stileid.u32;
	s4 =	rddreg [dreg:$0x0]  }
0x3: {  	s5 =	rddreg [dreg:$0x1];
	s9 =	simm.s32 $0x6400;
	s10 =	simm.s32 $0x48  }
0x4: {  	s11 =	simm.s32 $0x7400;
	s12 =	simm.s32 $0x1;
	s13 =	simm.s32 $0x7D00  }
0x5: {  	s14 =	simm.s32 $0x0;
	s3 =	sand.u32 $0x1, s1;
	s30 =	sshll.u32 s0, $0x8  }
0x6: {  	s1 =	rddreg [dreg:$0x2];
	s2 =	sshll.u32 s3, $0x7;
	s8 =	ssub.s32 $0x2, s3  }
0x7: {  	s3 =	sadd.s32 $0xF7BC00, s4;
	s6 =	sor.u32 s2, s30;
	s2 =	simm.s32 $0x0  }
0x8: {  	s31 =	sshrl.u32 s8, $0x1;
	s7 =	smul.u32 $0x19, s6;
	[smem:$0x7FF] =	sst s2  }
0x9: {  	s6 =	sshll.u32 s6, $0x2;
	s8 =	ssub.s32 s8, s31;
	_ =	strace $0x80000047  }
0xa: {  	s5 =	sadd.s32 s5, s6;
	s6 =	smax.u32 s8, $0x1;
	s7 =	sadd.s32 s7, s4  }
0xb: {  	s8 =	simm.s32 $0x80;
	s4 =	sadd.s32 $0x20800, s7;
	s7 =	simm.s32 $0x2  }
.LBB2_1:
0xc: {  	[tilespmem:s2], [sflag:$0x2] =	stream.linear.gather [hbm4b:s4+s2], $0x6400, $0x38;
	[tilespmem:$0x8D00] =	vst v63  }
0xd: {  	_ =	swait.ge [sflag:s7], $0x6400  }
0xe: {  	[sflag:s7] =	ssyncset.done $0x0  }
0xf: {  	s15 =	simm.s32 $0x0;
	[sflag:s7] =	ssyncadd.s32 $0xFFFF9C00  }
.LBB2_2:
0x10: {  	s16 =	smul.u32 $0x320, s15;
	_ =	sdelay $0x1  }
0x11: {  	s16 =	sshra.s32 s16, $0x2  }
0x12: {  	[tilespmem:s9], [sflag:$0x1] =	stream.indirect.gather [hbm4b:s3+s8], $0x20, s16, s8, $0xb8;
	[tilespmem:$0x8D00] =	vst v63  }
0x13: {  	s16 =	sadd.s32 $0x80, s16  }
0x14: {  	[tilespmem:s11], [sflag:$0x1] =	stream.indirect.gather [hbm4b:s3+s10], $0x20, s16, s10, $0xb8;
	[tilespmem:$0x8D00] =	vst v63  }
0x15: {  	_ =	swait.ge [sflag:s12], $0x1000  }
0x16: {  	[sflag:s12] =	ssyncset.done $0x0  }
0x17: {  	[sflag:s12] =	ssyncadd.s32 $0xFFFFF000  }
0x18: {  	_ =	swait.ge [sflag:s12], $0x900  }
0x19: {  	[sflag:s12] =	ssyncset.done $0x0  }
0x1a: {  	s16 =	simm.s32 $0x0;
	[sflag:s12] =	ssyncadd.s32 $0xFFFFF700  }
0x1b: {  	v3 =	vld [tilespmem:s16+$0x6580]  }
0x1c: {  	v4 =	vld [tilespmem:s16+$0x6590]  }
0x1d: {  	v5 =	vld [tilespmem:s16+$0x65A0]  }
0x1e: {  	v6 =	vld [tilespmem:s16+$0x65B0]  }
0x1f: {  	v0 =	vld [tilespmem:s16+$0x65C0]  }
0x20: {  	v1 =	vld [tilespmem:s16+$0x65D0]  }
0x21: {  	v13 =	vld [tilespmem:s16+$0x6500]  }
0x22: {  	v15 =	vld [tilespmem:s16+$0x6510]  }
0x23: {  	v12 =	vld [tilespmem:s16+$0x6520]  }
0x24: {  	v14 =	vld [tilespmem:s16+$0x6530]  }
0x25: {  	v2 =	vld [tilespmem:s16+$0x6540]  }
0x26: {  	v9 =	vld [tilespmem:s16+$0x6480]  }
0x27: {  	v10 =	vld [tilespmem:s16+$0x6490]  }
0x28: {  	v11 =	vld [tilespmem:s16+$0x6400]  }
0x29: {  	v17 =	vld [tilespmem:s16+$0x6410]  }
0x2a: {  	v18 =	vld [tilespmem:s16+$0x6420]  }
0x2b: {  	v19 =	vld [tilespmem:s16+$0x6430]  }
0x2c: {  	v20 =	vld [tilespmem:s16+$0x64A0]  }
0x2d: {  	v24 =	vld [tilespmem:s16+$0x64B0]  }
0x2e: {  	v8 =	vimm.f32 $0.0e+00;
	v7 =	vld [tilespmem:s16+$0x6550]  }
0x2f: {  	v16 =	vld [tilespmem:s16+$0x64C0];
	v11 =	vadd.f32 v11, v8;
	v22 =	vadd.f32 v17, v8  }
0x30: {  	v17 =	vld [tilespmem:s16+$0x64D0];
	v23 =	vadd.f32 v18, v8;
	v25 =	vadd.f32 v19, v8  }
0x31: {  	v18 =	vld [tilespmem:s16+$0x6440];
	v21 =	vadd.f32 v9, v11;
	v22 =	vadd.f32 v10, v22  }
0x32: {  	v19 =	vld [tilespmem:s16+$0x6450];
	v23 =	vadd.f32 v20, v23;
	v24 =	vadd.f32 v24, v25  }
0x33: {  	s17 =	simm.s32 $0x800;
	v20 =	vld [tilespmem:s16+$0x6460];
	v11 =	vimm.f32 $0.0e+00;
	v9 =	vimm.f32 $0.0e+00;
	v10 =	vimm.f32 $0.0e+00  }
.LBB2_3:
0x34: {  	p0 =	sne.s32 s17, $0x5800;
	v25 =	vld [tilespmem:s16+$0x6470];
	v13 =	vadd.f32 v13, v21;
	v15 =	vadd.f32 v15, v22  }
0x35: {  	v21 =	vld [tilespmem:s16+$0x64E0];
	v12 =	vadd.f32 v12, v23;
	v14 =	vadd.f32 v14, v24  }
0x36: {  	v22 =	vld [tilespmem:s16+$0x64F0];
	v23 =	vadd.f32 v3, v13;
	v24 =	vadd.f32 v4, v15  }
0x37: {  	v13 =	vld [tilespmem:s16+$0x6560];
	v26 =	vadd.f32 v5, v12;
	v27 =	vadd.f32 v6, v14  }
0x38: {  	v3 =	vadd.f32 v18, v8;
	v4 =	vadd.f32 v19, v11;
	v6 =	vld [tilespmem:s16+$0x6570]  }
0x39: {  	v5 =	vadd.f32 v20, v9;
	v8 =	vadd.f32 v25, v10;
	v9 =	vld [tilespmem:s16+$0x65E0]  }
0x3a: {  	v10 =	vadd.f32 v16, v3;
	v11 =	vadd.f32 v17, v4;
	v12 =	vld [tilespmem:s16+$0x65F0];
	s16 =	sshra.s32 s17, $0x2  }
0x3b: {  	v14 =	vadd.f32 v21, v5;
	v3 =	vld [tilespmem:s16+$0x6580];
	v8 =	vadd.f32 v22, v8  }
0x3c: {  	v2 =	vadd.f32 v2, v10;
	v7 =	vadd.f32 v7, v11;
	v4 =	vld [tilespmem:s16+$0x6590]  }
0x3d: {  	v10 =	vadd.f32 v13, v14;
	v5 =	vld [tilespmem:s16+$0x65A0];
	v13 =	vadd.f32 v6, v8  }
0x3e: {  	v8 =	vadd.f32 v0, v2;
	v11 =	vadd.f32 v1, v7;
	v6 =	vld [tilespmem:s16+$0x65B0]  }
0x3f: {  	v9 =	vadd.f32 v9, v10;
	v0 =	vld [tilespmem:s16+$0x65C0];
	v10 =	vadd.f32 v12, v13  }
0x40: {  	v1 =	vld [tilespmem:s16+$0x65D0]  }
0x41: {  	v13 =	vld [tilespmem:s16+$0x6500]  }
0x42: {  	v15 =	vld [tilespmem:s16+$0x6510]  }
0x43: {  	v12 =	vld [tilespmem:s16+$0x6520]  }
0x44: {  	v14 =	vld [tilespmem:s16+$0x6530]  }
0x45: {  	v2 =	vld [tilespmem:s16+$0x6540]  }
0x46: {  	v7 =	vld [tilespmem:s16+$0x6550]  }
0x47: {  	v20 =	vld [tilespmem:s16+$0x6480]  }
0x48: {  	v22 =	vld [tilespmem:s16+$0x6490]  }
0x49: {  	v17 =	vld [tilespmem:s16+$0x6400]  }
0x4a: {  	v18 =	vld [tilespmem:s16+$0x6410]  }
0x4b: {  	v19 =	vld [tilespmem:s16+$0x6420]  }
0x4c: {  	v21 =	vld [tilespmem:s16+$0x6430]  }
0x4d: {  	v25 =	vld [tilespmem:s16+$0x64A0]  }
0x4e: {  	v28 =	vld [tilespmem:s16+$0x64B0]  }
.Ltmp0:
0x4f: {  	v16 =	vld [tilespmem:s16+$0x64C0];
	(pc) =	sbr.rel @p0 .LBB2_3-.Ltmp0, $4  }
0x50: {  	v23 =	vadd.f32 v17, v23;
	v24 =	vadd.f32 v18, v24;
	v17 =	vld [tilespmem:s16+$0x64D0]  }
0x51: {  	v26 =	vadd.f32 v19, v26;
	v27 =	vadd.f32 v21, v27;
	v18 =	vld [tilespmem:s16+$0x6440]  }
0x52: {  	v21 =	vadd.f32 v20, v23;
	v22 =	vadd.f32 v22, v24;
	v19 =	vld [tilespmem:s16+$0x6450]  }
0x53: {  	s17 =	sadd.s32 $0x800, s17;
	v23 =	vadd.f32 v25, v26;
	v20 =	vld [tilespmem:s16+$0x6460];
	v24 =	vadd.f32 v28, v27  }
0x54: {  	v25 =	vld [tilespmem:s16+$0x6470]  }
0x55: {  	v26 =	vld [tilespmem:s16+$0x64E0]  }
0x56: {  	v27 =	vld [tilespmem:s16+$0x64F0]  }
0x57: {  	v28 =	vld [tilespmem:s16+$0x6560]  }
0x58: {  	v29 =	vld [tilespmem:s16+$0x6570]  }
0x59: {  	v30 =	vld [tilespmem:s16+$0x65E0]  }
0x5a: {  	v31 =	vld [tilespmem:s16+$0x65F0]  }
0x5b: {  	v32 =	vld [tilespmem:$0x7C00]  }
0x5c: {  	v13 =	vadd.f32 v13, v21;
	v15 =	vadd.f32 v15, v22;
	v45 =	vld [tilespmem:$0x7C10]  }
0x5d: {  	v46 =	vld [tilespmem:$0x7C20];
	v12 =	vadd.f32 v12, v23;
	v14 =	vadd.f32 v14, v24  }
0x5e: {  	v47 =	vld [tilespmem:$0x7C30];
	v3 =	vadd.f32 v3, v13;
	v4 =	vadd.f32 v4, v15  }
0x5f: {  	v48 =	vld [tilespmem:$0x7C40];
	v8 =	vadd.f32 v18, v8;
	v5 =	vadd.f32 v5, v12  }
0x60: {  	v49 =	vld [tilespmem:$0x7C50];
	v6 =	vadd.f32 v6, v14;
	v11 =	vadd.f32 v19, v11  }
0x61: {  	v52 =	vld [tilespmem:$0x7C80];
	v9 =	vadd.f32 v20, v9;
	v8 =	vadd.f32 v16, v8  }
0x62: {  	v53 =	vld [tilespmem:$0x7C90];
	v10 =	vadd.f32 v25, v10;
	v11 =	vadd.f32 v17, v11  }
0x63: {  	v54 =	vld [tilespmem:$0x7CA0];
	v3 =	vadd.f32 v32, v3;
	v4 =	vadd.f32 v45, v4  }
0x64: {  	v50 =	vld [tilespmem:$0x7C60];
	v5 =	vadd.f32 v46, v5;
	v6 =	vadd.f32 v47, v6  }
0x65: {  	v55 =	vld [tilespmem:$0x7CB0];
	v9 =	vadd.f32 v26, v9;
	v2 =	vadd.f32 v2, v8  }
0x66: {  	v51 =	vld [tilespmem:$0x7C70];
	v10 =	vadd.f32 v27, v10;
	v7 =	vadd.f32 v7, v11  }
0x67: {  	v58 =	vld [tilespmem:$0x7CC0];
	v3 =	vadd.f32 v52, v3;
	v4 =	vadd.f32 v53, v4  }
0x68: {  	v59 =	vld [tilespmem:$0x7CD0];
	v5 =	vadd.f32 v54, v5;
	v9 =	vadd.f32 v28, v9  }
0x69: {  	v60 =	vld [tilespmem:$0x7CE0];
	v0 =	vadd.f32 v0, v2;
	v10 =	vadd.f32 v29, v10  }
0x6a: {  	v61 =	vld [tilespmem:$0x7CF0];
	v2 =	vadd.f32 v55, v6;
	v56 =	vadd.f32 v30, v9  }
0x6b: {  	v1 =	vadd.f32 v1, v7;
	v57 =	vadd.f32 v31, v10  }
0x6c: {  	v0 =	vadd.f32 v48, v0;
	v7 =	vadd.f32 v50, v56  }
0x6d: {  	v1 =	vadd.f32 v49, v1;
	v9 =	vadd.f32 v51, v57  }
0x6e: {  	v0 =	vadd.f32 v58, v0;
	v62 =	vadd.f32 v60, v7  }
0x6f: {  	s31 =	sshll.u32 s15, $0x5;
	s15 =	sadd.s32 $0x1, s15;
	v1 =	vadd.f32 v59, v1;
	v63 =	vadd.f32 v61, v9  }
0x70: {  	p0 =	sne.s32 s15, $0x80;
	v3 =	vadd.f32 v5, v3;
	v0 =	vadd.f32 v62, v0  }
.Ltmp1:
0x71: {  	v2 =	vadd.f32 v2, v4;
	v1 =	vadd.f32 v63, v1;
	(pc) =	sbr.rel @p0 .LBB2_2-.Ltmp1, $4  }
0x72: {  	v0 =	vadd.f32 v0, v3  }
0x73: {  	s16 =	sand.u32 $0x3FFFFFE0, s31;
	v1 =	vadd.f32 v1, v2  }
0x74: {  	[tilespmem:s16+$0x7D00] =	vst v0  }
0x75: {  	[tilespmem:s16+$0x7D10] =	vst v1  }
0x76: {  	s14 =	sadd.s32 $0x1, s14  }
0x77: {  	p0 =	sne.s32 s14, s6  }
.Ltmp2:
0x78: {  	_ = 	snop;
	(pc) =	sbr.rel @p0 .LBB2_1-.Ltmp2, $4  }
0x79: {  	[hbm4b:s5+s2] =	stream.linear.scatter [tilespmem:s13], [sflag:$0x2], $0x1000, $0x38;
	[tilespmem:$0x8D00] =	vst v63  }
0x7a: {  	_ =	swait.ge [sflag:s7], $0x1000  }
0x7b: {  	[sflag:s7] =	ssyncset.done $0x0  }
0x7c: {  	[sflag:s7] =	ssyncadd.s32 $0xFFFFF000  }
0x7d: {  	_ =	sfence.sel $0x180000  }
0x7e: {  	[bflag:$0x0] =	sbarrier.arrive $0xFFFF  }
0x7f: {  	p0 =	sne.s32 s0, $0x0;
	_ =	strace $0x90000047  }
0x80: {  	s0 =	sadd.s32 @!p0 $0x100000, s1;
	[bflag:$0x2] =	sbarrier.arrive $0xFFFF  }
0x81: {  	[sflag:s0] =	ssyncadd.tile.s32 @!p0 $0x1;
	_ =	shalt  }
.Lfunc_end2:
_tile_overlayer_lowered:
.L_overlay_start_2:
0x82: {  	(tag) =	ssettag $0x2  }
0x83: {  	s0 =	rddreg [dreg:$0x0];
	s2 =	stileid.u32  }
0x84: {  	s1 =	rddreg [dreg:$0x1];
	p0 =	sne.s32 s2, $0x0  }
0x85: {  	s3 =	rddreg [dreg:$0x2];
	[bflag:$0x3] =	sbarrier.arrive $0xFFFF;
	s2 =	simm.s32 @!p0 $0x1C02  }
0x86: {  	[timem:s3], [sflag:s2] =	dma.local @!p0 [hbm:s0], s1  }
0x87: {  	s0 =	simm.s32 @!p0 $0x2  }
0x88: {  	_ =	swait.ge @!p0 [sflag:s0], s1  }
0x89: {  	s1 =	ssub.s32 @!p0 $0x0, s1;
	[sflag:s0] =	ssyncset.done @!p0 $0x0  }
0x8a: {  	[sflag:s0] =	ssyncadd.s32 @!p0 s1  }
0x8b: {  	[bflag:$0x3] =	sbarrier.arrive $0xFFFF  }
0x8c: {  	_ =	shalt  }

</sc_bundles>
